<compile_context>
chip_gen: v7x
topology: tpu7x:2x2x1
jax: 0.10.2.dev20260603
libtpu: 0.0.44.dev20260713+nightly
codegen_flags: <defaults>
</compile_context>

<pallas_src>
import functools

import jax
import jax.numpy as jnp
from jax import lax
from jax.experimental import pallas as pl
from jax.experimental.pallas import tpu as pltpu
from jax.experimental.pallas import tpu_sc as plsc

D_MODEL = 1024
SEQ = 4096
SAMPLES = 4
NC, NS = 2, 16
NW = NC * NS
B_PER_W = SEQ // NW
CHUNK = 64


def _pe_lookup(table, idx):
    mesh = plsc.VectorSubcoreMesh(core_axis_name="c", subcore_axis_name="s")

    @functools.partial(
        pl.kernel,
        mesh=mesh,
        out_type=jax.ShapeDtypeStruct((SAMPLES * SEQ, D_MODEL), jnp.float32),
        scratch_types=[
            pltpu.VMEM((B_PER_W,), jnp.int32),
            pltpu.VMEM((CHUNK, D_MODEL), jnp.float32),
            pltpu.SemaphoreType.DMA,
        ],
    )
    def k(table_hbm, idx_hbm, out_hbm, idx_v, rows_v, sem):
        wid = lax.axis_index("s") * NC + lax.axis_index("c")
        base = wid * B_PER_W
        pltpu.sync_copy(idx_hbm.at[pl.ds(base, B_PER_W)], idx_v)
        for c in range(0, B_PER_W, CHUNK):
            pltpu.async_copy(
                table_hbm.at[idx_v.at[pl.ds(c, CHUNK)]], rows_v, sem
            ).wait()
            for s in range(SAMPLES):
                pltpu.sync_copy(
                    rows_v, out_hbm.at[pl.ds(s * SEQ + base + c, CHUNK)]
                )

    return k(table, idx)


def kernel(pe_table, n_samples, n_seqs):
    del n_samples
    seq_idx = jnp.arange(SEQ, dtype=jnp.int32) % n_seqs
    out = _pe_lookup(pe_table, seq_idx)
    return out.reshape(SAMPLES, SEQ, D_MODEL)

# --- scband reference (transcript-rebuilt; emitter-appended) ---
"""Pipeline reference for scband-position-encoding-77687368450678 (READ-ONLY COPY).

The authoritative reference and input builder live on the scoring server;
editing this copy changes nothing except your own understanding.
"""

import jax, jax.numpy as jnp
import numpy as np

D_MODEL = 1024
MAX_SEQUENCE_LEN = 8192


def _make_position_encoding(d_model, max_sequence_len):
    pos = np.arange(max_sequence_len, dtype=np.float64)[:, None]
    i = np.arange(d_model, dtype=np.float64)[None, :]
    angle = pos / np.power(10000.0, 2.0 * i / d_model)
    angle[:, 0::2] = np.sin(angle[:, 0::2])
    angle[:, 1::2] = np.cos(angle[:, 1::2])
    return jnp.asarray(angle, dtype=jnp.float32)


def setup_inputs() -> dict:
    pe_table = _make_position_encoding(D_MODEL, MAX_SEQUENCE_LEN)
    return {"pe_table": pe_table, "n_samples": 4, "n_seqs": 4096}


def reference(pe_table, n_samples, n_seqs):
    # position_idx = tile(expand_dims(range(n_seqs), 0), [n_samples, 1])
    seq_idx = jnp.arange(4096, dtype=jnp.int32) % n_seqs
    position_idx = jnp.tile(seq_idx[None, :], (4, 1)) + 0 * n_samples
    # embedding_lookup -> gather along axis 0
    position_encoding = jnp.take(pe_table, position_idx, axis=0)
    return position_encoding

if __name__ == "__main__":
    import jax
    _d = setup_inputs()
    print(jax.jit(kernel)(*tuple(_d.values())))

</pallas_src>

<mosaic_0001>
#map = affine_map<(d0, d1) -> (0, 0)>
#map1 = affine_map<(d0, d1) -> (0)>
module attributes {stable_mosaic.version = 14 : i64} {
  func.func @k(%arg0: i32, %arg1: i32, %arg2: memref<8192x1024xf32, #tpu.memory_space<hbm>>, %arg3: memref<4096xi32, #tpu.memory_space<hbm>>, %arg4: memref<16384x1024xf32, #tpu.memory_space<hbm>>, %arg5: memref<128xi32, #tpu.memory_space<vmem>>, %arg6: memref<64x1024xf32, #tpu.memory_space<vmem>>, %arg7: memref<!tpu.dma_semaphore, #tpu.memory_space<semaphore_mem>>) attributes {dimension_semantics = [#tpu.dimension_semantics<core_parallel>, #tpu.dimension_semantics<subcore_parallel>], iteration_bounds = array<i64: 2, 16>, scalar_prefetch = 0 : i64, scratch_operands = 3 : i64, tpu.core_type = #tpu.core_type<sc_vector_subcore>, window_params = [{transform_indices = #map}, {transform_indices = #map1}, {transform_indices = #map}]} {
    %mul3A = arith.constant 2 : i32
    %mul3A_0 = arith.muli %arg1, %mul3A : i32
    %add3A = arith.addi %mul3A_0, %arg0 : i32
    %mul3A_1 = arith.constant 128 : i32
    %mul3A_2 = arith.muli %add3A, %mul3A_1 : i32
    "tpu.region"() ({
      %run_scoped3A = tpu.sem_alloc : memref<!tpu.dma_semaphore, #tpu.memory_space<semaphore_mem>>
      %dma_start3A_53 = tpu.memref_slice %arg3[%mul3A_2] : memref<4096xi32, #tpu.memory_space<hbm>> -> memref<128xi32, #tpu.memory_space<hbm>>
      %dma_start3A_54 = tpu.memref_slice %arg3[%mul3A_2] : memref<4096xi32, #tpu.memory_space<hbm>> -> memref<128xi32, #tpu.memory_space<hbm>>
      tpu.enqueue_dma source(%dma_start3A_54 : memref<128xi32, #tpu.memory_space<hbm>>) target(%arg5 : memref<128xi32, #tpu.memory_space<vmem>>) target_semaphore(%run_scoped3A : memref<!tpu.dma_semaphore, #tpu.memory_space<semaphore_mem>>)
      %dma_wait3A_55 = tpu.memref_slice %arg3[%mul3A_2] : memref<4096xi32, #tpu.memory_space<hbm>> -> memref<128xi32, #tpu.memory_space<hbm>>
      %dma_wait3A_56 = tpu.memref_slice %arg3[%mul3A_2] : memref<4096xi32, #tpu.memory_space<hbm>> -> memref<128xi32, #tpu.memory_space<hbm>>
      tpu.wait_dma2 semaphore(%run_scoped3A : memref<!tpu.dma_semaphore, #tpu.memory_space<semaphore_mem>>) src(%dma_wait3A_56 : memref<128xi32, #tpu.memory_space<hbm>>) dst(%arg5 : memref<128xi32, #tpu.memory_space<vmem>>)
      tpu.yield
    }) : () -> ()
    %dma_start3A = arith.constant 0 : i32
    %dma_start3A_3 = tpu.memref_slice %arg5[%dma_start3A] : memref<128xi32, #tpu.memory_space<vmem>> -> memref<64xi32, #tpu.memory_space<vmem>>
    %dma_start3A_4 = arith.constant 0 : i32
    %dma_start3A_5 = arith.constant 0 : i32
    %dma_start3A_6 = tpu.memref_slice %arg2[%dma_start3A_4, %dma_start3A_5] : memref<8192x1024xf32, #tpu.memory_space<hbm>> -> memref<8192x1024xf32, #tpu.memory_space<hbm>>
    tpu.enqueue_indirect_dma source(%dma_start3A_6 : memref<8192x1024xf32, #tpu.memory_space<hbm>>) target(%arg6 : memref<64x1024xf32, #tpu.memory_space<vmem>>) offsets(%dma_start3A_3 : memref<64xi32, #tpu.memory_space<vmem>>) semaphore(%arg7 : memref<!tpu.dma_semaphore, #tpu.memory_space<semaphore_mem>>)
    %dma_wait3A = arith.constant 0 : i32
    %dma_wait3A_7 = tpu.memref_slice %arg5[%dma_wait3A] : memref<128xi32, #tpu.memory_space<vmem>> -> memref<64xi32, #tpu.memory_space<vmem>>
    %dma_wait3A_8 = arith.constant 0 : i32
    %dma_wait3A_9 = arith.constant 0 : i32
    %dma_wait3A_10 = tpu.memref_slice %arg2[%dma_wait3A_8, %dma_wait3A_9] : memref<8192x1024xf32, #tpu.memory_space<hbm>> -> memref<8192x1024xf32, #tpu.memory_space<hbm>>
    tpu.wait_indirect_dma semaphore(%arg7 : memref<!tpu.dma_semaphore, #tpu.memory_space<semaphore_mem>>) src(%dma_wait3A_10 : memref<8192x1024xf32, #tpu.memory_space<hbm>>) dst(%arg6 : memref<64x1024xf32, #tpu.memory_space<vmem>>)
    %add3A_11 = arith.constant 0 : i32
    %add3A_12 = arith.addi %add3A_11, %mul3A_2 : i32
    %add3A_13 = arith.constant 0 : i32
    %add3A_14 = arith.addi %add3A_12, %add3A_13 : i32
    "tpu.region"() ({
      %run_scoped3A = tpu.sem_alloc : memref<!tpu.dma_semaphore, #tpu.memory_space<semaphore_mem>>
      %dma_start3A_53 = arith.constant 0 : i32
      %dma_start3A_54 = tpu.memref_slice %arg4[%add3A_14, %dma_start3A_53] : memref<16384x1024xf32, #tpu.memory_space<hbm>> -> memref<64x1024xf32, #tpu.memory_space<hbm>>
      %dma_start3A_55 = arith.constant 0 : i32
      %dma_start3A_56 = tpu.memref_slice %arg4[%add3A_14, %dma_start3A_55] : memref<16384x1024xf32, #tpu.memory_space<hbm>> -> memref<64x1024xf32, #tpu.memory_space<hbm>>
      tpu.enqueue_dma source(%arg6 : memref<64x1024xf32, #tpu.memory_space<vmem>>) target(%dma_start3A_56 : memref<64x1024xf32, #tpu.memory_space<hbm>>) target_semaphore(%run_scoped3A : memref<!tpu.dma_semaphore, #tpu.memory_space<semaphore_mem>>)
      %dma_wait3A_57 = arith.constant 0 : i32
      %dma_wait3A_58 = tpu.memref_slice %arg4[%add3A_14, %dma_wait3A_57] : memref<16384x1024xf32, #tpu.memory_space<hbm>> -> memref<64x1024xf32, #tpu.memory_space<hbm>>
      %dma_wait3A_59 = arith.constant 0 : i32
      %dma_wait3A_60 = tpu.memref_slice %arg4[%add3A_14, %dma_wait3A_59] : memref<16384x1024xf32, #tpu.memory_space<hbm>> -> memref<64x1024xf32, #tpu.memory_space<hbm>>
      tpu.wait_dma2 semaphore(%run_scoped3A : memref<!tpu.dma_semaphore, #tpu.memory_space<semaphore_mem>>) src(%arg6 : memref<64x1024xf32, #tpu.memory_space<vmem>>) dst(%dma_wait3A_60 : memref<64x1024xf32, #tpu.memory_space<hbm>>)
      tpu.yield
    }) : () -> ()
    %add3A_15 = arith.constant 4096 : i32
    %add3A_16 = arith.addi %add3A_15, %mul3A_2 : i32
    %add3A_17 = arith.constant 0 : i32
    %add3A_18 = arith.addi %add3A_16, %add3A_17 : i32
    "tpu.region"() ({
      %run_scoped3A = tpu.sem_alloc : memref<!tpu.dma_semaphore, #tpu.memory_space<semaphore_mem>>
      %dma_start3A_53 = arith.constant 0 : i32
      %dma_start3A_54 = tpu.memref_slice %arg4[%add3A_18, %dma_start3A_53] : memref<16384x1024xf32, #tpu.memory_space<hbm>> -> memref<64x1024xf32, #tpu.memory_space<hbm>>
      %dma_start3A_55 = arith.constant 0 : i32
      %dma_start3A_56 = tpu.memref_slice %arg4[%add3A_18, %dma_start3A_55] : memref<16384x1024xf32, #tpu.memory_space<hbm>> -> memref<64x1024xf32, #tpu.memory_space<hbm>>
      tpu.enqueue_dma source(%arg6 : memref<64x1024xf32, #tpu.memory_space<vmem>>) target(%dma_start3A_56 : memref<64x1024xf32, #tpu.memory_space<hbm>>) target_semaphore(%run_scoped3A : memref<!tpu.dma_semaphore, #tpu.memory_space<semaphore_mem>>)
      %dma_wait3A_57 = arith.constant 0 : i32
      %dma_wait3A_58 = tpu.memref_slice %arg4[%add3A_18, %dma_wait3A_57] : memref<16384x1024xf32, #tpu.memory_space<hbm>> -> memref<64x1024xf32, #tpu.memory_space<hbm>>
      %dma_wait3A_59 = arith.constant 0 : i32
      %dma_wait3A_60 = tpu.memref_slice %arg4[%add3A_18, %dma_wait3A_59] : memref<16384x1024xf32, #tpu.memory_space<hbm>> -> memref<64x1024xf32, #tpu.memory_space<hbm>>
      tpu.wait_dma2 semaphore(%run_scoped3A : memref<!tpu.dma_semaphore, #tpu.memory_space<semaphore_mem>>) src(%arg6 : memref<64x1024xf32, #tpu.memory_space<vmem>>) dst(%dma_wait3A_60 : memref<64x1024xf32, #tpu.memory_space<hbm>>)
      tpu.yield
    }) : () -> ()
    %add3A_19 = arith.constant 8192 : i32
    %add3A_20 = arith.addi %add3A_19, %mul3A_2 : i32
    %add3A_21 = arith.constant 0 : i32
    %add3A_22 = arith.addi %add3A_20, %add3A_21 : i32
    "tpu.region"() ({
      %run_scoped3A = tpu.sem_alloc : memref<!tpu.dma_semaphore, #tpu.memory_space<semaphore_mem>>
      %dma_start3A_53 = arith.constant 0 : i32
      %dma_start3A_54 = tpu.memref_slice %arg4[%add3A_22, %dma_start3A_53] : memref<16384x1024xf32, #tpu.memory_space<hbm>> -> memref<64x1024xf32, #tpu.memory_space<hbm>>
      %dma_start3A_55 = arith.constant 0 : i32
      %dma_start3A_56 = tpu.memref_slice %arg4[%add3A_22, %dma_start3A_55] : memref<16384x1024xf32, #tpu.memory_space<hbm>> -> memref<64x1024xf32, #tpu.memory_space<hbm>>
      tpu.enqueue_dma source(%arg6 : memref<64x1024xf32, #tpu.memory_space<vmem>>) target(%dma_start3A_56 : memref<64x1024xf32, #tpu.memory_space<hbm>>) target_semaphore(%run_scoped3A : memref<!tpu.dma_semaphore, #tpu.memory_space<semaphore_mem>>)
      %dma_wait3A_57 = arith.constant 0 : i32
      %dma_wait3A_58 = tpu.memref_slice %arg4[%add3A_22, %dma_wait3A_57] : memref<16384x1024xf32, #tpu.memory_space<hbm>> -> memref<64x1024xf32, #tpu.memory_space<hbm>>
      %dma_wait3A_59 = arith.constant 0 : i32
      %dma_wait3A_60 = tpu.memref_slice %arg4[%add3A_22, %dma_wait3A_59] : memref<16384x1024xf32, #tpu.memory_space<hbm>> -> memref<64x1024xf32, #tpu.memory_space<hbm>>
      tpu.wait_dma2 semaphore(%run_scoped3A : memref<!tpu.dma_semaphore, #tpu.memory_space<semaphore_mem>>) src(%arg6 : memref<64x1024xf32, #tpu.memory_space<vmem>>) dst(%dma_wait3A_60 : memref<64x1024xf32, #tpu.memory_space<hbm>>)
      tpu.yield
    }) : () -> ()
    %add3A_23 = arith.constant 12288 : i32
    %add3A_24 = arith.addi %add3A_23, %mul3A_2 : i32
    %add3A_25 = arith.constant 0 : i32
    %add3A_26 = arith.addi %add3A_24, %add3A_25 : i32
    "tpu.region"() ({
      %run_scoped3A = tpu.sem_alloc : memref<!tpu.dma_semaphore, #tpu.memory_space<semaphore_mem>>
      %dma_start3A_53 = arith.constant 0 : i32
      %dma_start3A_54 = tpu.memref_slice %arg4[%add3A_26, %dma_start3A_53] : memref<16384x1024xf32, #tpu.memory_space<hbm>> -> memref<64x1024xf32, #tpu.memory_space<hbm>>
      %dma_start3A_55 = arith.constant 0 : i32
      %dma_start3A_56 = tpu.memref_slice %arg4[%add3A_26, %dma_start3A_55] : memref<16384x1024xf32, #tpu.memory_space<hbm>> -> memref<64x1024xf32, #tpu.memory_space<hbm>>
      tpu.enqueue_dma source(%arg6 : memref<64x1024xf32, #tpu.memory_space<vmem>>) target(%dma_start3A_56 : memref<64x1024xf32, #tpu.memory_space<hbm>>) target_semaphore(%run_scoped3A : memref<!tpu.dma_semaphore, #tpu.memory_space<semaphore_mem>>)
      %dma_wait3A_57 = arith.constant 0 : i32
      %dma_wait3A_58 = tpu.memref_slice %arg4[%add3A_26, %dma_wait3A_57] : memref<16384x1024xf32, #tpu.memory_space<hbm>> -> memref<64x1024xf32, #tpu.memory_space<hbm>>
      %dma_wait3A_59 = arith.constant 0 : i32
      %dma_wait3A_60 = tpu.memref_slice %arg4[%add3A_26, %dma_wait3A_59] : memref<16384x1024xf32, #tpu.memory_space<hbm>> -> memref<64x1024xf32, #tpu.memory_space<hbm>>
      tpu.wait_dma2 semaphore(%run_scoped3A : memref<!tpu.dma_semaphore, #tpu.memory_space<semaphore_mem>>) src(%arg6 : memref<64x1024xf32, #tpu.memory_space<vmem>>) dst(%dma_wait3A_60 : memref<64x1024xf32, #tpu.memory_space<hbm>>)
      tpu.yield
    }) : () -> ()
    %dma_start3A_27 = arith.constant 64 : i32
    %dma_start3A_28 = tpu.memref_slice %arg5[%dma_start3A_27] : memref<128xi32, #tpu.memory_space<vmem>> -> memref<64xi32, #tpu.memory_space<vmem>>
    %dma_start3A_29 = arith.constant 0 : i32
    %dma_start3A_30 = arith.constant 0 : i32
    %dma_start3A_31 = tpu.memref_slice %arg2[%dma_start3A_29, %dma_start3A_30] : memref<8192x1024xf32, #tpu.memory_space<hbm>> -> memref<8192x1024xf32, #tpu.memory_space<hbm>>
    tpu.enqueue_indirect_dma source(%dma_start3A_31 : memref<8192x1024xf32, #tpu.memory_space<hbm>>) target(%arg6 : memref<64x1024xf32, #tpu.memory_space<vmem>>) offsets(%dma_start3A_28 : memref<64xi32, #tpu.memory_space<vmem>>) semaphore(%arg7 : memref<!tpu.dma_semaphore, #tpu.memory_space<semaphore_mem>>)
    %dma_wait3A_32 = arith.constant 64 : i32
    %dma_wait3A_33 = tpu.memref_slice %arg5[%dma_wait3A_32] : memref<128xi32, #tpu.memory_space<vmem>> -> memref<64xi32, #tpu.memory_space<vmem>>
    %dma_wait3A_34 = arith.constant 0 : i32
    %dma_wait3A_35 = arith.constant 0 : i32
    %dma_wait3A_36 = tpu.memref_slice %arg2[%dma_wait3A_34, %dma_wait3A_35] : memref<8192x1024xf32, #tpu.memory_space<hbm>> -> memref<8192x1024xf32, #tpu.memory_space<hbm>>
    tpu.wait_indirect_dma semaphore(%arg7 : memref<!tpu.dma_semaphore, #tpu.memory_space<semaphore_mem>>) src(%dma_wait3A_36 : memref<8192x1024xf32, #tpu.memory_space<hbm>>) dst(%arg6 : memref<64x1024xf32, #tpu.memory_space<vmem>>)
    %add3A_37 = arith.constant 0 : i32
    %add3A_38 = arith.addi %add3A_37, %mul3A_2 : i32
    %add3A_39 = arith.constant 64 : i32
    %add3A_40 = arith.addi %add3A_38, %add3A_39 : i32
    "tpu.region"() ({
      %run_scoped3A = tpu.sem_alloc : memref<!tpu.dma_semaphore, #tpu.memory_space<semaphore_mem>>
      %dma_start3A_53 = arith.constant 0 : i32
      %dma_start3A_54 = tpu.memref_slice %arg4[%add3A_40, %dma_start3A_53] : memref<16384x1024xf32, #tpu.memory_space<hbm>> -> memref<64x1024xf32, #tpu.memory_space<hbm>>
      %dma_start3A_55 = arith.constant 0 : i32
      %dma_start3A_56 = tpu.memref_slice %arg4[%add3A_40, %dma_start3A_55] : memref<16384x1024xf32, #tpu.memory_space<hbm>> -> memref<64x1024xf32, #tpu.memory_space<hbm>>
      tpu.enqueue_dma source(%arg6 : memref<64x1024xf32, #tpu.memory_space<vmem>>) target(%dma_start3A_56 : memref<64x1024xf32, #tpu.memory_space<hbm>>) target_semaphore(%run_scoped3A : memref<!tpu.dma_semaphore, #tpu.memory_space<semaphore_mem>>)
      %dma_wait3A_57 = arith.constant 0 : i32
      %dma_wait3A_58 = tpu.memref_slice %arg4[%add3A_40, %dma_wait3A_57] : memref<16384x1024xf32, #tpu.memory_space<hbm>> -> memref<64x1024xf32, #tpu.memory_space<hbm>>
      %dma_wait3A_59 = arith.constant 0 : i32
      %dma_wait3A_60 = tpu.memref_slice %arg4[%add3A_40, %dma_wait3A_59] : memref<16384x1024xf32, #tpu.memory_space<hbm>> -> memref<64x1024xf32, #tpu.memory_space<hbm>>
      tpu.wait_dma2 semaphore(%run_scoped3A : memref<!tpu.dma_semaphore, #tpu.memory_space<semaphore_mem>>) src(%arg6 : memref<64x1024xf32, #tpu.memory_space<vmem>>) dst(%dma_wait3A_60 : memref<64x1024xf32, #tpu.memory_space<hbm>>)
      tpu.yield
    }) : () -> ()
    %add3A_41 = arith.constant 4096 : i32
    %add3A_42 = arith.addi %add3A_41, %mul3A_2 : i32
    %add3A_43 = arith.constant 64 : i32
    %add3A_44 = arith.addi %add3A_42, %add3A_43 : i32
    "tpu.region"() ({
      %run_scoped3A = tpu.sem_alloc : memref<!tpu.dma_semaphore, #tpu.memory_space<semaphore_mem>>
      %dma_start3A_53 = arith.constant 0 : i32
      %dma_start3A_54 = tpu.memref_slice %arg4[%add3A_44, %dma_start3A_53] : memref<16384x1024xf32, #tpu.memory_space<hbm>> -> memref<64x1024xf32, #tpu.memory_space<hbm>>
      %dma_start3A_55 = arith.constant 0 : i32
      %dma_start3A_56 = tpu.memref_slice %arg4[%add3A_44, %dma_start3A_55] : memref<16384x1024xf32, #tpu.memory_space<hbm>> -> memref<64x1024xf32, #tpu.memory_space<hbm>>
      tpu.enqueue_dma source(%arg6 : memref<64x1024xf32, #tpu.memory_space<vmem>>) target(%dma_start3A_56 : memref<64x1024xf32, #tpu.memory_space<hbm>>) target_semaphore(%run_scoped3A : memref<!tpu.dma_semaphore, #tpu.memory_space<semaphore_mem>>)
      %dma_wait3A_57 = arith.constant 0 : i32
      %dma_wait3A_58 = tpu.memref_slice %arg4[%add3A_44, %dma_wait3A_57] : memref<16384x1024xf32, #tpu.memory_space<hbm>> -> memref<64x1024xf32, #tpu.memory_space<hbm>>
      %dma_wait3A_59 = arith.constant 0 : i32
      %dma_wait3A_60 = tpu.memref_slice %arg4[%add3A_44, %dma_wait3A_59] : memref<16384x1024xf32, #tpu.memory_space<hbm>> -> memref<64x1024xf32, #tpu.memory_space<hbm>>
      tpu.wait_dma2 semaphore(%run_scoped3A : memref<!tpu.dma_semaphore, #tpu.memory_space<semaphore_mem>>) src(%arg6 : memref<64x1024xf32, #tpu.memory_space<vmem>>) dst(%dma_wait3A_60 : memref<64x1024xf32, #tpu.memory_space<hbm>>)
      tpu.yield
    }) : () -> ()
    %add3A_45 = arith.constant 8192 : i32
    %add3A_46 = arith.addi %add3A_45, %mul3A_2 : i32
    %add3A_47 = arith.constant 64 : i32
    %add3A_48 = arith.addi %add3A_46, %add3A_47 : i32
    "tpu.region"() ({
      %run_scoped3A = tpu.sem_alloc : memref<!tpu.dma_semaphore, #tpu.memory_space<semaphore_mem>>
      %dma_start3A_53 = arith.constant 0 : i32
      %dma_start3A_54 = tpu.memref_slice %arg4[%add3A_48, %dma_start3A_53] : memref<16384x1024xf32, #tpu.memory_space<hbm>> -> memref<64x1024xf32, #tpu.memory_space<hbm>>
      %dma_start3A_55 = arith.constant 0 : i32
      %dma_start3A_56 = tpu.memref_slice %arg4[%add3A_48, %dma_start3A_55] : memref<16384x1024xf32, #tpu.memory_space<hbm>> -> memref<64x1024xf32, #tpu.memory_space<hbm>>
      tpu.enqueue_dma source(%arg6 : memref<64x1024xf32, #tpu.memory_space<vmem>>) target(%dma_start3A_56 : memref<64x1024xf32, #tpu.memory_space<hbm>>) target_semaphore(%run_scoped3A : memref<!tpu.dma_semaphore, #tpu.memory_space<semaphore_mem>>)
      %dma_wait3A_57 = arith.constant 0 : i32
      %dma_wait3A_58 = tpu.memref_slice %arg4[%add3A_48, %dma_wait3A_57] : memref<16384x1024xf32, #tpu.memory_space<hbm>> -> memref<64x1024xf32, #tpu.memory_space<hbm>>
      %dma_wait3A_59 = arith.constant 0 : i32
      %dma_wait3A_60 = tpu.memref_slice %arg4[%add3A_48, %dma_wait3A_59] : memref<16384x1024xf32, #tpu.memory_space<hbm>> -> memref<64x1024xf32, #tpu.memory_space<hbm>>
      tpu.wait_dma2 semaphore(%run_scoped3A : memref<!tpu.dma_semaphore, #tpu.memory_space<semaphore_mem>>) src(%arg6 : memref<64x1024xf32, #tpu.memory_space<vmem>>) dst(%dma_wait3A_60 : memref<64x1024xf32, #tpu.memory_space<hbm>>)
      tpu.yield
    }) : () -> ()
    %add3A_49 = arith.constant 12288 : i32
    %add3A_50 = arith.addi %add3A_49, %mul3A_2 : i32
    %add3A_51 = arith.constant 64 : i32
    %add3A_52 = arith.addi %add3A_50, %add3A_51 : i32
    "tpu.region"() ({
      %run_scoped3A = tpu.sem_alloc : memref<!tpu.dma_semaphore, #tpu.memory_space<semaphore_mem>>
      %dma_start3A_53 = arith.constant 0 : i32
      %dma_start3A_54 = tpu.memref_slice %arg4[%add3A_52, %dma_start3A_53] : memref<16384x1024xf32, #tpu.memory_space<hbm>> -> memref<64x1024xf32, #tpu.memory_space<hbm>>
      %dma_start3A_55 = arith.constant 0 : i32
      %dma_start3A_56 = tpu.memref_slice %arg4[%add3A_52, %dma_start3A_55] : memref<16384x1024xf32, #tpu.memory_space<hbm>> -> memref<64x1024xf32, #tpu.memory_space<hbm>>
      tpu.enqueue_dma source(%arg6 : memref<64x1024xf32, #tpu.memory_space<vmem>>) target(%dma_start3A_56 : memref<64x1024xf32, #tpu.memory_space<hbm>>) target_semaphore(%run_scoped3A : memref<!tpu.dma_semaphore, #tpu.memory_space<semaphore_mem>>)
      %dma_wait3A_57 = arith.constant 0 : i32
      %dma_wait3A_58 = tpu.memref_slice %arg4[%add3A_52, %dma_wait3A_57] : memref<16384x1024xf32, #tpu.memory_space<hbm>> -> memref<64x1024xf32, #tpu.memory_space<hbm>>
      %dma_wait3A_59 = arith.constant 0 : i32
      %dma_wait3A_60 = tpu.memref_slice %arg4[%add3A_52, %dma_wait3A_59] : memref<16384x1024xf32, #tpu.memory_space<hbm>> -> memref<64x1024xf32, #tpu.memory_space<hbm>>
      tpu.wait_dma2 semaphore(%run_scoped3A : memref<!tpu.dma_semaphore, #tpu.memory_space<semaphore_mem>>) src(%arg6 : memref<64x1024xf32, #tpu.memory_space<vmem>>) dst(%dma_wait3A_60 : memref<64x1024xf32, #tpu.memory_space<hbm>>)
      tpu.yield
    }) : () -> ()
    return
  }
}

</mosaic_0001>

<sc_bundles>
// kernel: kernel.3.cloned.1.call-start
scs
__scs_entry_jumppad:
0x0: {  	(pc) =	sbr.rel $0x88, $3  }
0x1: {  	(tag) =	ssettag $0x0;
	lr =	simm.s32 $0x1  }
0x2: {  	[smem:$0x3F9F] =	sst lr;
	_ =	strace $0xD0000000  }
0x3: {  	_ = 	snop  }
0x4: {  	_ = 	snop  }
0x5: {  	_ = 	snop  }
0x6: {  	_ = 	snop  }
0x7: {  	_ = 	snop  }
__scs_overlays_trampoline_lowered:
0x8: {  	[smem:$0x3FAE] =	sst s0  }
0x9: {  	[smem:$0x3FAF] =	sst s1  }
0xa: {  	[smem:$0x3FB0] =	sst s2  }
0xb: {  	[smem:$0x3FB1] =	sst s3  }
0xc: {  	[smem:$0x3FB2] =	sst s4  }
0xd: {  	[smem:$0x3FB3] =	sst s5  }
0xe: {  	[smem:$0x3FB4] =	sst s6  }
0xf: {  	[smem:$0x3FB5] =	sst s7  }
0x10: {  	[smem:$0x3FB6] =	sst s8  }
0x11: {  	[smem:$0x3FB7] =	sst s9;
	s0 =	simm.s32 @!p0 $0x0  }
0x12: {  	s1 =	sld [smem:$0x3F9D];
	s0 =	simm.s32 @p0 $0x1  }
0x13: {  	[smem:$0x3FB8] =	sst s0;
	s0 =	simm.s32 @!p1 $0x0  }
0x14: {  	s2 =	sld [smem:$0x3F9C];
	s0 =	simm.s32 @p1 $0x1  }
0x15: {  	[smem:$0x3FB9] =	sst s0;
	s0 =	simm.s32 @!p2 $0x0  }
0x16: {  	s3 =	sld [smem:$0x3FDB];
	s0 =	simm.s32 @p2 $0x1  }
0x17: {  	s4 =	simm.s32 $0x1BF5;
	[smem:$0x3FBB] =	sst s0  }
0x18: {  	s0 =	sld [smem:$0x3F9E];
	_ =	swait.ge [sflag:s4], $0x0  }
0x19: {  	s7 =	sld [smem:$0x3F9F]  }
0x1a: {  	s8 =	sadd.s32 $0xFFFFE003, lr  }
0x1b: {  	s9 =	sadd.s32 $0xFFFFFEF7, lr;
	s5 =	simm.s32 $0xFFFFFFFF;
	p2 =	slt.u32 s8, $0xFFFFF086  }
0x1c: {  	p1 =	slt.u32 s9, $0xF7A;
	s5 =	simm.s32 @!p2 $0x0  }
0x1d: {  	s5 =	simm.s32 @p1 $0x1;
	p0 =	seq.s32 s7, s2  }
0x1e: {  	s7 =	smul.u32 @!p0 $0xF7A, s2;
	p2 =	seq.s32 @!p0 s5, $0x0  }
0x1f: {  	s9 =	smul.u32 $0xF7A, s1;
	s8 =	simm.s32 @!p0 $0x1BF5;
	p2 =	por !p2, p0  }
0x20: {  	[sflag:s8] =	ssyncset.s32 @!p0 $0xFFFFF086;
	s6 =	sadd.s32 @!p0 s3, s7;
	s7 =	simm.s32 @!p0 $0x108  }
0x21: {  	s3 =	sadd.s32 s3, s9;
	s6 =	sadd.s32 @!p0 $0x88, s6;
	s7 =	simm.s32 @p2 $0x1082  }
0x22: {  	[simem:s7], [sflag:s8] =	dma.local @!p0 [hbm:s6], $0xF7A  }
0x23: {  	s9 =	sor.u32 $0xD0000000, s2;
	s6 =	simm.s32 $0x108;
	_ =	swait.ge @!p0 [sflag:s8], $0x0  }
0x24: {  	s3 =	sadd.s32 $0x88, s3;
	s6 =	simm.s32 @!p1 $0x1082;
	[sflag:s4] =	ssyncset.s32 $0xFFFFF086  }
0x25: {  	[simem:s6], [sflag:s4] =	dma.local [hbm:s3], $0xF7A  }
0x26: {  	[smem:$0x3F9F] =	sst s1;
	(tag) =	ssettag s2;
	_ =	strace s9  }
0x27: {  	s1 =	sld [smem:$0x3FAF]  }
0x28: {  	s2 =	sld [smem:$0x3FB0]  }
0x29: {  	s4 =	sld [smem:$0x3FB2]  }
0x2a: {  	p0 =	seq.s32 s5, $0x0;
	s5 =	sld [smem:$0x3FB3]  }
0x2b: {  	s6 =	sld [smem:$0x3FB4]  }
0x2c: {  	s7 =	sld [smem:$0x3FB5]  }
0x2d: {  	s3 =	simm.s32 $0x108;
	s8 =	sld [smem:$0x3FB6]  }
0x2e: {  	s3 =	simm.s32 @!p0 $0x1082;
	s9 =	sld [smem:$0x3FB7]  }
0x2f: {  	lr =	sadd.s32 s0, s3;
	s0 =	sld [smem:$0x3FAE]  }
0x30: {  	s3 =	sld [smem:$0x3FB1]  }
0x31: {  	[smem:$0x3FBA] =	sst s10  }
0x32: {  	s10 =	sld [smem:$0x3FB8];
	_ =	sdelay $0x3  }
0x33: {  	p0 =	seq.s32 s10, $0x1;
	s10 =	sld [smem:$0x3FBA];
	_ =	sdelay $0x3  }
0x34: {  	[smem:$0x3FBA] =	sst s10  }
0x35: {  	s10 =	sld [smem:$0x3FB9];
	_ =	sdelay $0x3  }
0x36: {  	p1 =	seq.s32 s10, $0x1;
	s10 =	sld [smem:$0x3FBA];
	_ =	sdelay $0x3  }
0x37: {  	[smem:$0x3FBA] =	sst s10  }
0x38: {  	s10 =	sld [smem:$0x3FBB]  }
0x39: {  	_ = 	snop;
	(pc) =	sbr.ind lr, $3  }
0x3a: {  	_ = 	snop  }
0x3b: {  	_ = 	snop  }
0x3c: {  	p2 =	seq.s32 s10, $0x1;
	s10 =	sld [smem:$0x3FBA]  }
0x3d: {  	_ =	shalt  }
0x3e: {  	_ =	shalt  }
0x3f: {  	_ =	shalt  }
0x40: {  	_ =	shalt  }
0x41: {  	_ =	shalt  }
0x42: {  	_ =	shalt  }
0x43: {  	_ =	shalt  }
0x44: {  	_ =	shalt  }
0x45: {  	_ =	shalt  }
0x46: {  	_ =	shalt  }
0x47: {  	_ =	shalt  }
0x48: {  	_ =	shalt  }
0x49: {  	_ =	shalt  }
0x4a: {  	_ =	shalt  }
0x4b: {  	_ =	shalt  }
0x4c: {  	_ =	shalt  }
0x4d: {  	_ =	shalt  }
0x4e: {  	_ =	shalt  }
0x4f: {  	_ =	shalt  }
0x50: {  	_ =	shalt  }
0x51: {  	_ =	shalt  }
0x52: {  	_ =	shalt  }
0x53: {  	_ =	shalt  }
0x54: {  	_ =	shalt  }
0x55: {  	_ =	shalt  }
0x56: {  	_ =	shalt  }
0x57: {  	_ =	shalt  }
0x58: {  	_ =	shalt  }
0x59: {  	_ =	shalt  }
0x5a: {  	_ =	shalt  }
0x5b: {  	_ =	shalt  }
0x5c: {  	_ =	shalt  }
0x5d: {  	_ =	shalt  }
0x5e: {  	_ =	shalt  }
0x5f: {  	_ =	shalt  }
0x60: {  	_ =	shalt  }
0x61: {  	_ =	shalt  }
0x62: {  	_ =	shalt  }
0x63: {  	_ =	shalt  }
0x64: {  	_ =	shalt  }
0x65: {  	_ =	shalt  }
0x66: {  	_ =	shalt  }
0x67: {  	_ =	shalt  }
0x68: {  	_ =	shalt  }
0x69: {  	_ =	shalt  }
0x6a: {  	_ =	shalt  }
0x6b: {  	_ =	shalt  }
0x6c: {  	_ =	shalt  }
0x6d: {  	_ =	shalt  }
0x6e: {  	_ =	shalt  }
0x6f: {  	_ =	shalt  }
0x70: {  	_ =	shalt  }
0x71: {  	_ =	shalt  }
0x72: {  	_ =	shalt  }
0x73: {  	_ =	shalt  }
0x74: {  	_ =	shalt  }
0x75: {  	_ =	shalt  }
0x76: {  	_ =	shalt  }
0x77: {  	_ =	shalt  }
0x78: {  	_ =	shalt  }
0x79: {  	_ =	shalt  }
0x7a: {  	_ =	shalt  }
0x7b: {  	_ =	shalt  }
0x7c: {  	_ =	shalt  }
0x7d: {  	_ =	shalt  }
0x7e: {  	_ =	shalt  }
0x7f: {  	_ =	shalt  }
0x80: {  	_ =	shalt  }
0x81: {  	_ =	shalt  }
0x82: {  	_ =	shalt  }
0x83: {  	_ =	shalt  }
0x84: {  	_ =	shalt  }
0x85: {  	_ =	shalt  }
0x86: {  	_ =	shalt  }
0x87: {  	_ =	shalt  }
.Lfunc_end0:
.L_simem_size_0:
called_computation_lowered:
.L_overlay_start_0:
0x88: {  	s2 =	sld [smem:$0x3FD9]  }
0x89: {  	s3 =	sld [smem:$0x3FFE];
	_ =	sdelay $0x1  }
0x8a: {  	s1 =	srdreg.scid  }
0x8b: {  	s0 =	sand.u32 $0x1, s1  }
0x8c: {  	s17 =	sshll.u32 s0, $0xA;
	s2 =	sadd.s32 s3, s2  }
0x8d: {  	s2 =	sadd.s32 s2, s17  }
0x8e: {  	[smem:$0x3FC6] =	sst s2  }
0x8f: {  	_ = 	snop  }
0x90: {  	s2 =	sld [smem:$0x3FC9]  }
0x91: {  	s18 =	sld [smem:$0x3FD0];
	(tm) =	ssettm $0x1  }
0x92: {  	s4 =	sld [smem:$0x3FFB];
	_ =	sdelay $0x3  }
0x93: {  	_ =	strace s4  }
0x94: {  	s4 =	sld [smem:$0x3FFC];
	_ =	sdelay $0x3  }
0x95: {  	_ =	strace s4  }
0x96: {  	s4 =	sld [smem:$0x3FFD];
	_ =	sdelay $0x3  }
0x97: {  	_ =	strace s4  }
0x98: {  	_ =	strace $0x8FFFFFFF  }
0x99: {  	s19 =	sld [smem:$0x3FDB];
	_ =	sdelay $0x1  }
0x9a: {  	s5 =	simm.s32 $_scs_section_size  }
0x9b: {  	s6 =	simm.s32 $_size__tile_overlayer_lowered;
	s7 =	simm.s32 $_tile_overlayer_lowered  }
0x9c: {  	s22 =	simm.s32 $0x1BFF;
	s21 =	sshll.u32 s7, $0x1;
	s4 =	sadd.s32 s5, s19  }
0x9d: {  	s8 =	simm.s32 $0x0;
	s20 =	sshll.u32 s6, $0x1;
	s6 =	sadd.s32 s21, s4  }
0x9e: {  	[timem:s8], [sflag:s22] =	dma.local [hbm:s6], s20  }
0x9f: {  	_ =	swait.ge [sflag:s22], s20  }
0xa0: {  	s5 =	ssub.s32 $0x0, s20;
	[sflag:s22] =	ssyncset.done $0x0  }
0xa1: {  	[sflag:s22] =	ssyncadd.s32 s5;
	_ =	sdelay $0x1  }
0xa2: {  	s23 =	simm.s32 $0x1B8B  }
0xa3: {  	_ =	swait.ge [sflag:s23], $0x1  }
0xa4: {  	[sflag:s23] =	ssyncset.done $0x0  }
0xa5: {  	s25 =	simm.s32 $0x1B8E;
	s24 =	sld [smem:$0x3FFE];
	[sflag:s23] =	ssyncadd.s32 $0xFFFFFFFF  }
0xa6: {  	s26 =	simm.s32 $execute0_lowered;
	[smem:$0x3FD2] =	sst s25  }
0xa7: {  	s6 =	sshll.u32 s26, $0x1;
	_ =	strace $0x80000046;
	[dreg:$0x1] =	wrdreg $0xFFFFFFFF  }
0xa8: {  	s28 =	simm.s32 $_size_execute0_lowered;
	s4 =	sadd.s32 s4, s6;
	[dreg:$0x0] =	wrdreg $0x0  }
0xa9: {  	s6 =	sshll.u32 s28, $0x1;
	[dreg:$0x2] =	wrdreg s4  }
0xaa: {  	[dreg:$0x3] =	wrdreg s6  }
0xab: {  	[dreg:$0x4] =	wrdreg $0xC0  }
0xac: {  	_ =	task [dreg:s8], $0x5FFFF  }
0xad: {  	[dreg:$0x1] =	wrdreg $0xFFFFFFFF  }
0xae: {  	[dreg:$0x0] =	wrdreg $0x60  }
0xaf: {  	[dreg:$0x2] =	wrdreg s2  }
0xb0: {  	[dreg:$0x3] =	wrdreg s24  }
0xb1: {  	[dreg:$0x4] =	wrdreg s18  }
0xb2: {  	[dreg:$0x5] =	wrdreg $0x9  }
0xb3: {  	_ =	task.clear_ibuf [dreg:s8], $0x6FFFF;
	_ =	strace $0x90000046  }
0xb4: {  	s29 =	simm.s32 $0x9;
	_ =	strace $0x80000048  }
0xb5: {  	_ =	swait.ge [sflag:s29], $0x1  }
0xb6: {  	[sflag:s29] =	ssyncadd.s32 $0xFFFFFFFF  }
0xb7: {  	_ =	strace $0x90000048  }
0xb8: {  	_ =	sfence  }
0xb9: {  	s30 =	sld [smem:$0x0];
	_ =	sdelay $0x2  }
0xba: {  	s31 =	sshll.u32 s1, $0xD;
	s1 =	sshrl.u32 s1, $0x2  }
0xbb: {  	s3 =	sand.u32 $0x4000, s31;
	s1 =	sadd.s32 s1, s30  }
0xbc: {  	s0 =	sor.u32 s3, s0;
	s1 =	sshll.u32 s1, $0x11  }
0xbd: {  	s0 =	sor.u32 s1, s0  }
0xbe: {  	s0 =	sadd.s32 $0x8F2B, s0  }
0xbf: {  	[sflag:s0] =	ssyncadd.remote.s32 $0x1  }
0xc0: {  	_ =	sfence.sel $0xFFFF  }
0xc1: {  	[dreg:$0x0] =	wrdreg $0xFFFFFFFF;
	(pc) =	sbr.abs _section_cstart, $3  }
0xc2: {  	[dreg:$0x1] =	wrdreg $0xFFFFFFFF  }
0xc3: {  	_ =	task.clear_ibuf [dreg:s8], $0x2FFFF;
	_ =	strace $0x9FFFFFFF  }
0xc4: {  	(tm) =	ssettm $0x7FFFFFFF  }
0xc5: {  	_ =	shalt  }
tec
execute0_lowered:
.L_overlay_start_1:
0x0: {  	(tag) =	ssettag $0x1  }
0x1: {  	s1 =	rddreg [dreg:$0x0]  }
0x2: {  	s0 =	srdreg.scid;
	s2 =	rddreg [dreg:$0x1]  }
0x3: {  	s3 =	stileid.u32;
	s5 =	rddreg [dreg:$0x2];
	s9 =	simm.s32 $0x2  }
0x4: {  	s10 =	simm.s32 $0x80;
	s28 =	simm.s32 $0x3080;
	s29 =	simm.s32 $0x3880  }
0x5: {  	s30 =	simm.s32 $0x4080;
	s31 =	simm.s32 $0x4880;
	s11 =	simm.s32 $0x6080  }
0x6: {  	s12 =	simm.s32 $0x6880;
	s13 =	simm.s32 $0x7080;
	s14 =	simm.s32 $0x7880  }
0x7: {  	s15 =	simm.s32 $0x8880;
	s16 =	simm.s32 $0x9080;
	s0 =	sand.u32 $0x1, s0  }
0x8: {  	s17 =	simm.s32 $0x9880;
	s3 =	sshll.u32 s3, $0x8;
	s4 =	sshll.u32 s0, $0x7  }
0x9: {  	s18 =	simm.s32 $0xA080;
	s7 =	sadd.s32 $0x300, s1;
	s4 =	sor.u32 s4, s3  }
0xa: {  	s3 =	simm.s32 $0x0;
	s6 =	sshrl.u32 s4, $0x3;
	s4 =	sshll.u32 s4, $0x7  }
0xb: {  	[smem:$0x7FF] =	sst s3;
	s2 =	sadd.s32 s6, s2;
	s4 =	sadd.s32 s5, s4  }
0xc: {  	_ =	strace $0x80000047;
	s2 =	sadd.s32 $0x400, s2;
	[dreg:$0xc] =	wrdreg s4  }
0xd: {  	s0 =	ssub.s32 $0x2, s0;
	s19 =	sadd.s32 $0x80000, s4;
	[dreg:$0x4] =	wrdreg s2  }
0xe: {  	s21 =	sshrl.u32 s0, $0x1;
	s20 =	sadd.s32 $0x100000, s4;
	[dreg:$0x5] =	wrdreg s19  }
0xf: {  	s0 =	ssub.s32 s0, s21;
	s22 =	sadd.s32 $0x180000, s4;
	[dreg:$0x6] =	wrdreg s20  }
0x10: {  	s5 =	sadd.s32 $0x100, s1;
	s23 =	sadd.s32 $0x2000, s4;
	[dreg:$0x7] =	wrdreg s22  }
0x11: {  	s6 =	sadd.s32 $0x200, s1;
	s24 =	sadd.s32 $0x82000, s4;
	[dreg:$0x8] =	wrdreg s23  }
0x12: {  	s8 =	smax.u32 s0, $0x1;
	s25 =	sadd.s32 $0x102000, s4;
	[dreg:$0x9] =	wrdreg s24  }
0x13: {  	s26 =	sadd.s32 $0x182000, s4;
	s4 =	simm.s32 $0x8080;
	[dreg:$0xa] =	wrdreg s25  }
0x14: {  	v2 =	vlaneseq.u32;
	[dreg:$0xb] =	wrdreg s26;
	s20 =	simm.s32 $0x1;
	s22 =	simm.s32 $0x880  }
0x15: {  	vm0 =	vmmov $0xffff;
	v1 =	vshrl.u32 v2, $0x3;
	s23 =	simm.s32 $0x1080;
	s24 =	simm.s32 $0x1880;
	s25 =	simm.s32 $0x2080  }
0x16: {  	v0 =	vand.u32 $0x7, v2;
	v2 =	vor.u32 $0x8, v2;
	v1 =	vmul.u32 $0x8, v1;
	s26 =	simm.s32 $0x2880;
	s2 =	simm.s32 $0x5080;
	s19 =	simm.s32 $0xA880  }
.LBB2_1:
0x17: {  	s21 =	rddreg [dreg:$0x4]  }
0x18: {  	[tilespmem:s3], [sflag:$0x2] =	stream.linear.gather [hbm4b:s21+s3], $0x80, $0x38;
	[tilespmem:$0x10080] =	vst v63  }
0x19: {  	_ =	swait.ge [sflag:s9], $0x80  }
0x1a: {  	[sflag:s9] =	ssyncset.done $0x0  }
0x1b: {  	[sflag:s9] =	ssyncadd.s32 $0xFFFFFF80  }
0x1c: {  	v3 =	vld [tilespmem:$0x0];
	_ =	sdelay $0x4  }
0x1d: {  	v4 =	vshll.u32 v3, $0x3  }
0x1e: {  	v3 =	vand.u32 $0x7, v3;
	v4 =	vand.u32 $0xFFFFFFC0, v4  }
0x1f: {  	v3 =	vor.u32 v3, v4  }
0x20: {  	v4 =	vperm.xlane v3, v0;
	_ =	sdelay $0x1  }
0x21: {  	v4 =	vadd.s32 v1, v4;
	_ =	sdelay $0x4  }
0x22: {  	[tilespmem:s10], [sflag:$0x1] =	stream.indirect_vreg.gather [hbm4b:s1+s3], $0x80, v4, vm0, $0xb8;
	[tilespmem:$0x10080] =	vst v63  }
0x23: {  	v3 =	vperm.xlane v3, v2  }
0x24: {  	[tilespmem:s22], [sflag:$0x1] =	stream.indirect_vreg.gather [hbm4b:s5+s3], $0x80, v4, vm0, $0xb8;
	[tilespmem:$0x10080] =	vst v63  }
0x25: {  	v3 =	vadd.s32 v1, v3  }
0x26: {  	[tilespmem:s23], [sflag:$0x1] =	stream.indirect_vreg.gather [hbm4b:s6+s3], $0x80, v4, vm0, $0xb8;
	[tilespmem:$0x10080] =	vst v63  }
0x27: {  	_ = 	snop  }
0x28: {  	[tilespmem:s24], [sflag:$0x1] =	stream.indirect_vreg.gather [hbm4b:s7+s3], $0x80, v4, vm0, $0xb8;
	[tilespmem:$0x10080] =	vst v63  }
0x29: {  	_ = 	snop  }
0x2a: {  	[tilespmem:s25], [sflag:$0x1] =	stream.indirect_vreg.gather [hbm4b:s1+s3], $0x80, v3, vm0, $0xb8;
	[tilespmem:$0x10080] =	vst v63  }
0x2b: {  	_ = 	snop  }
0x2c: {  	[tilespmem:s26], [sflag:$0x1] =	stream.indirect_vreg.gather [hbm4b:s5+s3], $0x80, v3, vm0, $0xb8;
	[tilespmem:$0x10080] =	vst v63  }
0x2d: {  	_ = 	snop  }
0x2e: {  	[tilespmem:s28], [sflag:$0x1] =	stream.indirect_vreg.gather [hbm4b:s6+s3], $0x80, v3, vm0, $0xb8;
	[tilespmem:$0x10080] =	vst v63  }
0x2f: {  	_ = 	snop  }
0x30: {  	[tilespmem:s29], [sflag:$0x1] =	stream.indirect_vreg.gather [hbm4b:s7+s3], $0x80, v3, vm0, $0xb8;
	[tilespmem:$0x10080] =	vst v63  }
0x31: {  	v3 =	vld [tilespmem:$0x10];
	_ =	sdelay $0x4  }
0x32: {  	v57 =	vshll.u32 v3, $0x3  }
0x33: {  	v3 =	vand.u32 $0x7, v3;
	v4 =	vand.u32 $0xFFFFFFC0, v57  }
0x34: {  	v3 =	vor.u32 v3, v4  }
0x35: {  	v4 =	vperm.xlane v3, v0;
	_ =	sdelay $0x1  }
0x36: {  	v4 =	vadd.s32 v1, v4;
	_ =	sdelay $0x4  }
0x37: {  	[tilespmem:s30], [sflag:$0x1] =	stream.indirect_vreg.gather [hbm4b:s1+s3], $0x80, v4, vm0, $0xb8;
	[tilespmem:$0x10080] =	vst v63  }
0x38: {  	v3 =	vperm.xlane v3, v2  }
0x39: {  	[tilespmem:s31], [sflag:$0x1] =	stream.indirect_vreg.gather [hbm4b:s5+s3], $0x80, v4, vm0, $0xb8;
	[tilespmem:$0x10080] =	vst v63  }
0x3a: {  	v3 =	vadd.s32 v1, v3  }
0x3b: {  	[tilespmem:s2], [sflag:$0x1] =	stream.indirect_vreg.gather [hbm4b:s6+s3], $0x80, v4, vm0, $0xb8;
	[tilespmem:$0x10080] =	vst v63  }
0x3c: {  	s0 =	simm.s32 $0x5880  }
0x3d: {  	[tilespmem:s0], [sflag:$0x1] =	stream.indirect_vreg.gather [hbm4b:s7+s3], $0x80, v4, vm0, $0xb8;
	[tilespmem:$0x10080] =	vst v63  }
0x3e: {  	_ = 	snop  }
0x3f: {  	[tilespmem:s11], [sflag:$0x1] =	stream.indirect_vreg.gather [hbm4b:s1+s3], $0x80, v3, vm0, $0xb8;
	[tilespmem:$0x10080] =	vst v63  }
0x40: {  	_ = 	snop  }
0x41: {  	[tilespmem:s12], [sflag:$0x1] =	stream.indirect_vreg.gather [hbm4b:s5+s3], $0x80, v3, vm0, $0xb8;
	[tilespmem:$0x10080] =	vst v63  }
0x42: {  	_ = 	snop  }
0x43: {  	[tilespmem:s13], [sflag:$0x1] =	stream.indirect_vreg.gather [hbm4b:s6+s3], $0x80, v3, vm0, $0xb8;
	[tilespmem:$0x10080] =	vst v63  }
0x44: {  	_ = 	snop  }
0x45: {  	[tilespmem:s14], [sflag:$0x1] =	stream.indirect_vreg.gather [hbm4b:s7+s3], $0x80, v3, vm0, $0xb8;
	[tilespmem:$0x10080] =	vst v63  }
0x46: {  	v3 =	vld [tilespmem:$0x20];
	_ =	sdelay $0x4  }
0x47: {  	v58 =	vshll.u32 v3, $0x3  }
0x48: {  	v3 =	vand.u32 $0x7, v3;
	v4 =	vand.u32 $0xFFFFFFC0, v58  }
0x49: {  	v3 =	vor.u32 v3, v4  }
0x4a: {  	v4 =	vperm.xlane v3, v0;
	_ =	sdelay $0x1  }
0x4b: {  	v4 =	vadd.s32 v1, v4;
	_ =	sdelay $0x4  }
0x4c: {  	[tilespmem:s4], [sflag:$0x1] =	stream.indirect_vreg.gather [hbm4b:s1+s3], $0x80, v4, vm0, $0xb8;
	[tilespmem:$0x10080] =	vst v63  }
0x4d: {  	v3 =	vperm.xlane v3, v2  }
0x4e: {  	[tilespmem:s15], [sflag:$0x1] =	stream.indirect_vreg.gather [hbm4b:s5+s3], $0x80, v4, vm0, $0xb8;
	[tilespmem:$0x10080] =	vst v63  }
0x4f: {  	v3 =	vadd.s32 v1, v3  }
0x50: {  	[tilespmem:s16], [sflag:$0x1] =	stream.indirect_vreg.gather [hbm4b:s6+s3], $0x80, v4, vm0, $0xb8;
	[tilespmem:$0x10080] =	vst v63  }
0x51: {  	_ = 	snop  }
0x52: {  	[tilespmem:s17], [sflag:$0x1] =	stream.indirect_vreg.gather [hbm4b:s7+s3], $0x80, v4, vm0, $0xb8;
	[tilespmem:$0x10080] =	vst v63  }
0x53: {  	_ = 	snop  }
0x54: {  	[tilespmem:s18], [sflag:$0x1] =	stream.indirect_vreg.gather [hbm4b:s1+s3], $0x80, v3, vm0, $0xb8;
	[tilespmem:$0x10080] =	vst v63  }
0x55: {  	_ = 	snop  }
0x56: {  	[tilespmem:s19], [sflag:$0x1] =	stream.indirect_vreg.gather [hbm4b:s5+s3], $0x80, v3, vm0, $0xb8;
	[tilespmem:$0x10080] =	vst v63  }
0x57: {  	s21 =	simm.s32 $0xB080  }
0x58: {  	[tilespmem:s21], [sflag:$0x1] =	stream.indirect_vreg.gather [hbm4b:s6+s3], $0x80, v3, vm0, $0xb8;
	[tilespmem:$0x10080] =	vst v63  }
0x59: {  	s21 =	simm.s32 $0xB880  }
0x5a: {  	[tilespmem:s21], [sflag:$0x1] =	stream.indirect_vreg.gather [hbm4b:s7+s3], $0x80, v3, vm0, $0xb8;
	[tilespmem:$0x10080] =	vst v63  }
0x5b: {  	v3 =	vld [tilespmem:$0x30];
	_ =	sdelay $0x4  }
0x5c: {  	v59 =	vshll.u32 v3, $0x3  }
0x5d: {  	v3 =	vand.u32 $0x7, v3;
	v4 =	vand.u32 $0xFFFFFFC0, v59  }
0x5e: {  	v3 =	vor.u32 v3, v4  }
0x5f: {  	v4 =	vperm.xlane v3, v0;
	_ =	sdelay $0x1  }
0x60: {  	v4 =	vadd.s32 v1, v4;
	_ =	sdelay $0x3  }
0x61: {  	s21 =	simm.s32 $0xC080  }
0x62: {  	[tilespmem:s21], [sflag:$0x1] =	stream.indirect_vreg.gather [hbm4b:s1+s3], $0x80, v4, vm0, $0xb8;
	[tilespmem:$0x10080] =	vst v63  }
0x63: {  	v3 =	vperm.xlane v3, v2;
	s21 =	simm.s32 $0xC880  }
0x64: {  	[tilespmem:s21], [sflag:$0x1] =	stream.indirect_vreg.gather [hbm4b:s5+s3], $0x80, v4, vm0, $0xb8;
	[tilespmem:$0x10080] =	vst v63  }
0x65: {  	v3 =	vadd.s32 v1, v3;
	s21 =	simm.s32 $0xD080  }
0x66: {  	[tilespmem:s21], [sflag:$0x1] =	stream.indirect_vreg.gather [hbm4b:s6+s3], $0x80, v4, vm0, $0xb8;
	[tilespmem:$0x10080] =	vst v63  }
0x67: {  	s21 =	simm.s32 $0xD880  }
0x68: {  	[tilespmem:s21], [sflag:$0x1] =	stream.indirect_vreg.gather [hbm4b:s7+s3], $0x80, v4, vm0, $0xb8;
	[tilespmem:$0x10080] =	vst v63  }
0x69: {  	s21 =	simm.s32 $0xE080  }
0x6a: {  	[tilespmem:s21], [sflag:$0x1] =	stream.indirect_vreg.gather [hbm4b:s1+s3], $0x80, v3, vm0, $0xb8;
	[tilespmem:$0x10080] =	vst v63  }
0x6b: {  	s21 =	simm.s32 $0xE880  }
0x6c: {  	[tilespmem:s21], [sflag:$0x1] =	stream.indirect_vreg.gather [hbm4b:s5+s3], $0x80, v3, vm0, $0xb8;
	[tilespmem:$0x10080] =	vst v63  }
0x6d: {  	s21 =	simm.s32 $0xF080  }
0x6e: {  	[tilespmem:s21], [sflag:$0x1] =	stream.indirect_vreg.gather [hbm4b:s6+s3], $0x80, v3, vm0, $0xb8;
	[tilespmem:$0x10080] =	vst v63  }
0x6f: {  	s21 =	simm.s32 $0xF880  }
0x70: {  	[tilespmem:s21], [sflag:$0x1] =	stream.indirect_vreg.gather [hbm4b:s7+s3], $0x80, v3, vm0, $0xb8;
	[tilespmem:$0x10080] =	vst v63  }
0x71: {  	_ =	swait.ge [sflag:s20], $0x10000  }
0x72: {  	[sflag:s20] =	ssyncset.done $0x0  }
0x73: {  	s21 =	rddreg [dreg:$0xc];
	[sflag:s20] =	ssyncadd.s32 $0xFFFF0000  }
0x74: {  	[hbm4b:s21+s3] =	stream.linear.scatter [tilespmem:s10], [sflag:$0x2], $0x10000, $0x38;
	[tilespmem:$0x10080] =	vst v63  }
0x75: {  	_ =	swait.ge [sflag:s9], $0x10000  }
0x76: {  	[sflag:s9] =	ssyncset.done $0x0  }
0x77: {  	s21 =	rddreg [dreg:$0x5];
	[sflag:s9] =	ssyncadd.s32 $0xFFFF0000  }
0x78: {  	[hbm4b:s21+s3] =	stream.linear.scatter [tilespmem:s10], [sflag:$0x2], $0x10000, $0x38;
	[tilespmem:$0x10080] =	vst v63  }
0x79: {  	_ =	swait.ge [sflag:s9], $0x10000  }
0x7a: {  	[sflag:s9] =	ssyncset.done $0x0  }
0x7b: {  	s21 =	rddreg [dreg:$0x6];
	[sflag:s9] =	ssyncadd.s32 $0xFFFF0000  }
0x7c: {  	[hbm4b:s21+s3] =	stream.linear.scatter [tilespmem:s10], [sflag:$0x2], $0x10000, $0x38;
	[tilespmem:$0x10080] =	vst v63  }
0x7d: {  	_ =	swait.ge [sflag:s9], $0x10000  }
0x7e: {  	[sflag:s9] =	ssyncset.done $0x0  }
0x7f: {  	s21 =	rddreg [dreg:$0x7];
	[sflag:s9] =	ssyncadd.s32 $0xFFFF0000  }
0x80: {  	[hbm4b:s21+s3] =	stream.linear.scatter [tilespmem:s10], [sflag:$0x2], $0x10000, $0x38;
	[tilespmem:$0x10080] =	vst v63  }
0x81: {  	_ =	swait.ge [sflag:s9], $0x10000  }
0x82: {  	[sflag:s9] =	ssyncset.done $0x0  }
0x83: {  	[sflag:s9] =	ssyncadd.s32 $0xFFFF0000  }
0x84: {  	v3 =	vld [tilespmem:$0x40];
	_ =	sdelay $0x4  }
0x85: {  	v60 =	vshll.u32 v3, $0x3  }
0x86: {  	v3 =	vand.u32 $0x7, v3;
	v4 =	vand.u32 $0xFFFFFFC0, v60  }
0x87: {  	v3 =	vor.u32 v3, v4  }
0x88: {  	v4 =	vperm.xlane v3, v0;
	_ =	sdelay $0x1  }
0x89: {  	v4 =	vadd.s32 v1, v4;
	_ =	sdelay $0x4  }
0x8a: {  	[tilespmem:s10], [sflag:$0x1] =	stream.indirect_vreg.gather [hbm4b:s1+s3], $0x80, v4, vm0, $0xb8;
	[tilespmem:$0x10080] =	vst v63  }
0x8b: {  	v3 =	vperm.xlane v3, v2  }
0x8c: {  	[tilespmem:s22], [sflag:$0x1] =	stream.indirect_vreg.gather [hbm4b:s5+s3], $0x80, v4, vm0, $0xb8;
	[tilespmem:$0x10080] =	vst v63  }
0x8d: {  	v3 =	vadd.s32 v1, v3  }
0x8e: {  	[tilespmem:s23], [sflag:$0x1] =	stream.indirect_vreg.gather [hbm4b:s6+s3], $0x80, v4, vm0, $0xb8;
	[tilespmem:$0x10080] =	vst v63  }
0x8f: {  	_ = 	snop  }
0x90: {  	[tilespmem:s24], [sflag:$0x1] =	stream.indirect_vreg.gather [hbm4b:s7+s3], $0x80, v4, vm0, $0xb8;
	[tilespmem:$0x10080] =	vst v63  }
0x91: {  	_ = 	snop  }
0x92: {  	[tilespmem:s25], [sflag:$0x1] =	stream.indirect_vreg.gather [hbm4b:s1+s3], $0x80, v3, vm0, $0xb8;
	[tilespmem:$0x10080] =	vst v63  }
0x93: {  	_ = 	snop  }
0x94: {  	[tilespmem:s26], [sflag:$0x1] =	stream.indirect_vreg.gather [hbm4b:s5+s3], $0x80, v3, vm0, $0xb8;
	[tilespmem:$0x10080] =	vst v63  }
0x95: {  	_ = 	snop  }
0x96: {  	[tilespmem:s28], [sflag:$0x1] =	stream.indirect_vreg.gather [hbm4b:s6+s3], $0x80, v3, vm0, $0xb8;
	[tilespmem:$0x10080] =	vst v63  }
0x97: {  	_ = 	snop  }
0x98: {  	[tilespmem:s29], [sflag:$0x1] =	stream.indirect_vreg.gather [hbm4b:s7+s3], $0x80, v3, vm0, $0xb8;
	[tilespmem:$0x10080] =	vst v63  }
0x99: {  	v3 =	vld [tilespmem:$0x50];
	_ =	sdelay $0x4  }
0x9a: {  	v61 =	vshll.u32 v3, $0x3  }
0x9b: {  	v3 =	vand.u32 $0x7, v3;
	v4 =	vand.u32 $0xFFFFFFC0, v61  }
0x9c: {  	v3 =	vor.u32 v3, v4  }
0x9d: {  	v4 =	vperm.xlane v3, v0;
	_ =	sdelay $0x1  }
0x9e: {  	v4 =	vadd.s32 v1, v4;
	_ =	sdelay $0x4  }
0x9f: {  	[tilespmem:s30], [sflag:$0x1] =	stream.indirect_vreg.gather [hbm4b:s1+s3], $0x80, v4, vm0, $0xb8;
	[tilespmem:$0x10080] =	vst v63  }
0xa0: {  	v3 =	vperm.xlane v3, v2  }
0xa1: {  	[tilespmem:s31], [sflag:$0x1] =	stream.indirect_vreg.gather [hbm4b:s5+s3], $0x80, v4, vm0, $0xb8;
	[tilespmem:$0x10080] =	vst v63  }
0xa2: {  	v3 =	vadd.s32 v1, v3  }
0xa3: {  	[tilespmem:s2], [sflag:$0x1] =	stream.indirect_vreg.gather [hbm4b:s6+s3], $0x80, v4, vm0, $0xb8;
	[tilespmem:$0x10080] =	vst v63  }
0xa4: {  	_ = 	snop  }
0xa5: {  	[tilespmem:s0], [sflag:$0x1] =	stream.indirect_vreg.gather [hbm4b:s7+s3], $0x80, v4, vm0, $0xb8;
	[tilespmem:$0x10080] =	vst v63  }
0xa6: {  	_ = 	snop  }
0xa7: {  	[tilespmem:s11], [sflag:$0x1] =	stream.indirect_vreg.gather [hbm4b:s1+s3], $0x80, v3, vm0, $0xb8;
	[tilespmem:$0x10080] =	vst v63  }
0xa8: {  	_ = 	snop  }
0xa9: {  	[tilespmem:s12], [sflag:$0x1] =	stream.indirect_vreg.gather [hbm4b:s5+s3], $0x80, v3, vm0, $0xb8;
	[tilespmem:$0x10080] =	vst v63  }
0xaa: {  	_ = 	snop  }
0xab: {  	[tilespmem:s13], [sflag:$0x1] =	stream.indirect_vreg.gather [hbm4b:s6+s3], $0x80, v3, vm0, $0xb8;
	[tilespmem:$0x10080] =	vst v63  }
0xac: {  	_ = 	snop  }
0xad: {  	[tilespmem:s14], [sflag:$0x1] =	stream.indirect_vreg.gather [hbm4b:s7+s3], $0x80, v3, vm0, $0xb8;
	[tilespmem:$0x10080] =	vst v63  }
0xae: {  	v3 =	vld [tilespmem:$0x60];
	_ =	sdelay $0x4  }
0xaf: {  	v62 =	vshll.u32 v3, $0x3  }
0xb0: {  	v3 =	vand.u32 $0x7, v3;
	v4 =	vand.u32 $0xFFFFFFC0, v62  }
0xb1: {  	v3 =	vor.u32 v3, v4  }
0xb2: {  	v4 =	vperm.xlane v3, v0;
	_ =	sdelay $0x1  }
0xb3: {  	v4 =	vadd.s32 v1, v4;
	_ =	sdelay $0x4  }
0xb4: {  	[tilespmem:s4], [sflag:$0x1] =	stream.indirect_vreg.gather [hbm4b:s1+s3], $0x80, v4, vm0, $0xb8;
	[tilespmem:$0x10080] =	vst v63  }
0xb5: {  	v3 =	vperm.xlane v3, v2  }
0xb6: {  	[tilespmem:s15], [sflag:$0x1] =	stream.indirect_vreg.gather [hbm4b:s5+s3], $0x80, v4, vm0, $0xb8;
	[tilespmem:$0x10080] =	vst v63  }
0xb7: {  	v3 =	vadd.s32 v1, v3  }
0xb8: {  	[tilespmem:s16], [sflag:$0x1] =	stream.indirect_vreg.gather [hbm4b:s6+s3], $0x80, v4, vm0, $0xb8;
	[tilespmem:$0x10080] =	vst v63  }
0xb9: {  	_ = 	snop  }
0xba: {  	[tilespmem:s17], [sflag:$0x1] =	stream.indirect_vreg.gather [hbm4b:s7+s3], $0x80, v4, vm0, $0xb8;
	[tilespmem:$0x10080] =	vst v63  }
0xbb: {  	_ = 	snop  }
0xbc: {  	[tilespmem:s18], [sflag:$0x1] =	stream.indirect_vreg.gather [hbm4b:s1+s3], $0x80, v3, vm0, $0xb8;
	[tilespmem:$0x10080] =	vst v63  }
0xbd: {  	_ = 	snop  }
0xbe: {  	[tilespmem:s19], [sflag:$0x1] =	stream.indirect_vreg.gather [hbm4b:s5+s3], $0x80, v3, vm0, $0xb8;
	[tilespmem:$0x10080] =	vst v63  }
0xbf: {  	s21 =	simm.s32 $0xB080  }
0xc0: {  	[tilespmem:s21], [sflag:$0x1] =	stream.indirect_vreg.gather [hbm4b:s6+s3], $0x80, v3, vm0, $0xb8;
	[tilespmem:$0x10080] =	vst v63  }
0xc1: {  	s21 =	simm.s32 $0xB880  }
0xc2: {  	[tilespmem:s21], [sflag:$0x1] =	stream.indirect_vreg.gather [hbm4b:s7+s3], $0x80, v3, vm0, $0xb8;
	[tilespmem:$0x10080] =	vst v63  }
0xc3: {  	v3 =	vld [tilespmem:$0x70];
	_ =	sdelay $0x4  }
0xc4: {  	v63 =	vshll.u32 v3, $0x3  }
0xc5: {  	v3 =	vand.u32 $0x7, v3;
	v4 =	vand.u32 $0xFFFFFFC0, v63  }
0xc6: {  	v3 =	vor.u32 v3, v4  }
0xc7: {  	v4 =	vperm.xlane v3, v0;
	_ =	sdelay $0x1  }
0xc8: {  	v4 =	vadd.s32 v1, v4;
	_ =	sdelay $0x3  }
0xc9: {  	s21 =	simm.s32 $0xC080  }
0xca: {  	[tilespmem:s21], [sflag:$0x1] =	stream.indirect_vreg.gather [hbm4b:s1+s3], $0x80, v4, vm0, $0xb8;
	[tilespmem:$0x10080] =	vst v63  }
0xcb: {  	v3 =	vperm.xlane v3, v2;
	s21 =	simm.s32 $0xC880  }
0xcc: {  	[tilespmem:s21], [sflag:$0x1] =	stream.indirect_vreg.gather [hbm4b:s5+s3], $0x80, v4, vm0, $0xb8;
	[tilespmem:$0x10080] =	vst v63  }
0xcd: {  	v3 =	vadd.s32 v1, v3;
	s21 =	simm.s32 $0xD080  }
0xce: {  	[tilespmem:s21], [sflag:$0x1] =	stream.indirect_vreg.gather [hbm4b:s6+s3], $0x80, v4, vm0, $0xb8;
	[tilespmem:$0x10080] =	vst v63  }
0xcf: {  	s21 =	simm.s32 $0xD880  }
0xd0: {  	[tilespmem:s21], [sflag:$0x1] =	stream.indirect_vreg.gather [hbm4b:s7+s3], $0x80, v4, vm0, $0xb8;
	[tilespmem:$0x10080] =	vst v63  }
0xd1: {  	s21 =	simm.s32 $0xE080  }
0xd2: {  	[tilespmem:s21], [sflag:$0x1] =	stream.indirect_vreg.gather [hbm4b:s1+s3], $0x80, v3, vm0, $0xb8;
	[tilespmem:$0x10080] =	vst v63  }
0xd3: {  	s21 =	simm.s32 $0xE880  }
0xd4: {  	[tilespmem:s21], [sflag:$0x1] =	stream.indirect_vreg.gather [hbm4b:s5+s3], $0x80, v3, vm0, $0xb8;
	[tilespmem:$0x10080] =	vst v63  }
0xd5: {  	s21 =	simm.s32 $0xF080  }
0xd6: {  	[tilespmem:s21], [sflag:$0x1] =	stream.indirect_vreg.gather [hbm4b:s6+s3], $0x80, v3, vm0, $0xb8;
	[tilespmem:$0x10080] =	vst v63  }
0xd7: {  	s21 =	simm.s32 $0xF880  }
0xd8: {  	[tilespmem:s21], [sflag:$0x1] =	stream.indirect_vreg.gather [hbm4b:s7+s3], $0x80, v3, vm0, $0xb8;
	[tilespmem:$0x10080] =	vst v63  }
0xd9: {  	_ =	swait.ge [sflag:s20], $0x10000  }
0xda: {  	[sflag:s20] =	ssyncset.done $0x0  }
0xdb: {  	s0 =	rddreg [dreg:$0x8];
	[sflag:s20] =	ssyncadd.s32 $0xFFFF0000  }
0xdc: {  	[hbm4b:s0+s3] =	stream.linear.scatter [tilespmem:s10], [sflag:$0x2], $0x10000, $0x38;
	[tilespmem:$0x10080] =	vst v63  }
0xdd: {  	_ =	swait.ge [sflag:s9], $0x10000  }
0xde: {  	[sflag:s9] =	ssyncset.done $0x0  }
0xdf: {  	s0 =	rddreg [dreg:$0x9];
	[sflag:s9] =	ssyncadd.s32 $0xFFFF0000  }
0xe0: {  	[hbm4b:s0+s3] =	stream.linear.scatter [tilespmem:s10], [sflag:$0x2], $0x10000, $0x38;
	[tilespmem:$0x10080] =	vst v63  }
0xe1: {  	_ =	swait.ge [sflag:s9], $0x10000  }
0xe2: {  	[sflag:s9] =	ssyncset.done $0x0  }
0xe3: {  	s0 =	rddreg [dreg:$0xa];
	[sflag:s9] =	ssyncadd.s32 $0xFFFF0000  }
0xe4: {  	[hbm4b:s0+s3] =	stream.linear.scatter [tilespmem:s10], [sflag:$0x2], $0x10000, $0x38;
	[tilespmem:$0x10080] =	vst v63  }
0xe5: {  	_ =	swait.ge [sflag:s9], $0x10000  }
0xe6: {  	p0 =	sne.s32 s8, $0x1;
	[sflag:s9] =	ssyncset.done $0x0  }
.Ltmp0:
0xe7: {  	s0 =	rddreg [dreg:$0xb];
	[sflag:s9] =	ssyncadd.s32 $0xFFFF0000;
	(pc) =	sbr.rel @p0 .LBB2_1-.Ltmp0, $4  }
0xe8: {  	[hbm4b:s0+s3] =	stream.linear.scatter [tilespmem:s10], [sflag:$0x2], $0x10000, $0x38;
	[tilespmem:$0x10080] =	vst v63  }
0xe9: {  	_ =	swait.ge [sflag:s9], $0x10000  }
0xea: {  	[sflag:s9] =	ssyncset.done $0x0  }
0xeb: {  	s8 =	sadd.s32 $0xFFFFFFFF, s8;
	[sflag:s9] =	ssyncadd.s32 $0xFFFF0000  }
0xec: {  	_ =	sfence.sel $0x180000  }
0xed: {  	[bflag:$0x0] =	sbarrier.arrive $0xFFFF  }
0xee: {  	_ =	strace $0x90000047  }
0xef: {  	s0 =	stileid.u32;
	[bflag:$0x2] =	sbarrier.arrive $0xFFFF  }
0xf0: {  	p0 =	sne.s32 s0, $0x0;
	s0 =	rddreg [dreg:$0x3]  }
0xf1: {  	s0 =	sadd.s32 @!p0 $0x100000, s0  }
0xf2: {  	[sflag:s0] =	ssyncadd.tile.s32 @!p0 $0x1;
	_ =	shalt  }
.Lfunc_end2:
_tile_overlayer_lowered:
.L_overlay_start_2:
0xf3: {  	(tag) =	ssettag $0x2  }
0xf4: {  	s0 =	rddreg [dreg:$0x0];
	s2 =	stileid.u32  }
0xf5: {  	s1 =	rddreg [dreg:$0x1];
	p0 =	sne.s32 s2, $0x0  }
0xf6: {  	s3 =	rddreg [dreg:$0x2];
	[bflag:$0x3] =	sbarrier.arrive $0xFFFF;
	s2 =	simm.s32 @!p0 $0x1C02  }
0xf7: {  	[timem:s3], [sflag:s2] =	dma.local @!p0 [hbm:s0], s1  }
0xf8: {  	s0 =	simm.s32 @!p0 $0x2  }
0xf9: {  	_ =	swait.ge @!p0 [sflag:s0], s1  }
0xfa: {  	s1 =	ssub.s32 @!p0 $0x0, s1;
	[sflag:s0] =	ssyncset.done @!p0 $0x0  }
0xfb: {  	[sflag:s0] =	ssyncadd.s32 @!p0 s1  }
0xfc: {  	[bflag:$0x3] =	sbarrier.arrive $0xFFFF  }
0xfd: {  	_ =	shalt  }

</sc_bundles>
